<compile_context>
chip_gen: v7x
topology: tpu7x:2x2x1
jax: 0.10.2.dev20260603
libtpu: 0.0.44.dev20260713+nightly
codegen_flags: <defaults>
</compile_context>

<pallas_src>
import functools

import jax
import jax.numpy as jnp
from jax import lax
from jax.experimental import pallas as pl
from jax.experimental.pallas import tpu as pltpu
from jax.experimental.pallas import tpu_sc as plsc

B = 16384
N_FIELDS = 26
VOCAB = 100000
EMB = 64
NUM_NUM = 13

K_EMB = N_FIELDS * EMB
NW = 32
P_PER_W = K_EMB // NW
BCH = 8192
N_BCH = B // BCH
UNROLL = 8


@functools.cache
def _sc_gather_fn():
    mesh = plsc.VectorSubcoreMesh(core_axis_name="c", subcore_axis_name="s")

    @functools.partial(
        pl.kernel,
        out_type=jax.ShapeDtypeStruct((K_EMB, B), jnp.float32),
        mesh=mesh,
        compiler_params=pltpu.CompilerParams(needs_layout_passes=False),
        scratch_types=[
            pltpu.VMEM((VOCAB,), jnp.float32),
            pltpu.VMEM((B,), jnp.int32),
            pltpu.VMEM((BCH,), jnp.float32),
        ],
    )
    def _sc_gather(xct_hbm, table_hbm, out_hbm, plane_v, idx_v, val_v):
        wid = lax.axis_index("s") * 2 + lax.axis_index("c")
        p_base = wid * P_PER_W

        def plane(p, prev_f):
            fe = p_base + p
            f = fe // EMB

            @pl.when(f != prev_f)
            def _():
                pltpu.sync_copy(xct_hbm.at[f], idx_v)

            pltpu.sync_copy(table_hbm.at[fe], plane_v)

            def bchunk(k, carry2):
                koff = pl.multiple_of(k * BCH, BCH)

                def group(g, carry3):
                    base = pl.multiple_of(g * (16 * UNROLL), 16 * UNROLL)
                    for j in range(UNROLL):
                        o = base + j * 16
                        vidx = idx_v[pl.ds(koff + o, 16)]
                        v = plsc.load_gather(plane_v, [vidx])
                        val_v[pl.ds(o, 16)] = v
                    return carry3

                lax.fori_loop(0, BCH // (16 * UNROLL), group, 0)
                pltpu.sync_copy(val_v, out_hbm.at[fe, pl.ds(koff, BCH)])
                return carry2

            lax.fori_loop(0, N_BCH, bchunk, 0)
            return f

        lax.fori_loop(0, P_PER_W, plane, jnp.int32(-1))

    return _sc_gather


def _mlp_body(xn_ref, embt_ref, w0n_ref, w0e_ref, b0_ref, w1_ref, b1_ref,
              w2_ref, b2_ref, w3_ref, b3_ref, w4_ref, b4_ref, out_ref):
    f32 = jnp.float32
    h = jnp.dot(xn_ref[...], w0n_ref[...], preferred_element_type=f32)
    h += jax.lax.dot_general(
        embt_ref[...], w0e_ref[...], (((0,), (0,)), ((), ())),
        preferred_element_type=f32)
    h = jnp.maximum(h + b0_ref[...], 0.0)
    h = jnp.maximum(
        jnp.dot(h, w1_ref[...], preferred_element_type=f32) + b1_ref[...], 0.0)
    h = jnp.maximum(
        jnp.dot(h, w2_ref[...], preferred_element_type=f32) + b2_ref[...], 0.0)
    h = jnp.maximum(
        jnp.dot(h, w3_ref[...], preferred_element_type=f32) + b3_ref[...], 0.0)
    out_ref[...] = (
        jnp.dot(h, w4_ref[...], preferred_element_type=f32) + b4_ref[...])


def _mlp_call(blk, xn, embt, w0n, w0e, b0, w1, b1, w2, b2, w3, b3,
              w4p, b4p):
    n_blk = B // blk
    full = lambda a: pl.BlockSpec(a.shape, lambda i: (0,) * a.ndim)
    return pl.pallas_call(
        _mlp_body,
        grid=(n_blk,),
        in_specs=[
            pl.BlockSpec((blk, 128), lambda i: (i, 0)),
            pl.BlockSpec((K_EMB, blk), lambda i: (0, i)),
            full(w0n), full(w0e), full(b0), full(w1), full(b1),
            full(w2), full(b2), full(w3), full(b3), full(w4p), full(b4p),
        ],
        out_specs=pl.BlockSpec((blk, 128), lambda i: (i, 0)),
        out_shape=jax.ShapeDtypeStruct((B, 128), jnp.float32),
    )(xn, embt, w0n, w0e, b0, w1, b1, w2, b2, w3, b3, w4p, b4p)


def kernel(x_num, x_cat, tables, W0, b0, W1, b1, W2, b2, W3, b3, W4, b4):
    table2d = tables.transpose(0, 2, 1).reshape(K_EMB, VOCAB)
    xct = x_cat.astype(jnp.int32).T

    embt = _sc_gather_fn()(xct, table2d)

    xn = jnp.pad(x_num, ((0, 0), (0, 128 - NUM_NUM)))
    w0n = jnp.pad(W0[:NUM_NUM], ((0, 128 - NUM_NUM), (0, 0)))
    w0e = W0[NUM_NUM:]
    w4p = jnp.pad(W4, ((0, 0), (0, 126)))
    b4p = jnp.pad(b4, (0, 126)).reshape(1, 128)

    out = _mlp_call(
        1024, xn, embt,
        w0n, w0e, b0.reshape(1, -1), W1, b1.reshape(1, -1),
        W2, b2.reshape(1, -1), W3, b3.reshape(1, -1), w4p, b4p,
    )
    return out[:, :2]

# --- scband reference (transcript-rebuilt; emitter-appended) ---
"""Pipeline reference for scband-neural-network-23098334118296 (READ-ONLY COPY).

The authoritative reference and input builder live on the scoring server;
editing this copy changes nothing except your own understanding.
"""

import jax, jax.numpy as jnp
import numpy as np

B = 16384
N_FIELDS = 26
VOCAB = 100000
EMB = 64
NUM_NUM = 13
HIDDEN = [1024, 1024, 512, 256]
N_CLASSES = 2


def setup_inputs(seed: int = 0) -> dict:
    key = jax.random.key(seed)
    ks = jax.random.split(key, 16)
    inp = {}
    inp['x_num'] = jax.random.normal(ks[0], (B, NUM_NUM), dtype=jnp.float32)
    inp['x_cat'] = jax.random.randint(ks[1], (B, N_FIELDS), 0, VOCAB, dtype=jnp.int64 if jax.config.jax_enable_x64 else jnp.int32)
    # stacked embedding tables: [n_fields, vocab, emb_dim]
    inp['tables'] = jax.random.normal(ks[2], (N_FIELDS, VOCAB, EMB), dtype=jnp.float32) * 0.02
    dims = [N_FIELDS * EMB + NUM_NUM] + HIDDEN + [N_CLASSES]
    for i in range(len(dims) - 1):
        fan_in = dims[i]
        bound = 1.0 / np.sqrt(fan_in)
        inp[f'W{i}'] = jax.random.uniform(ks[3 + i], (dims[i], dims[i + 1]), dtype=jnp.float32, minval=-bound, maxval=bound)
        inp[f'b{i}'] = jax.random.uniform(ks[9 + i], (dims[i + 1],), dtype=jnp.float32, minval=-bound, maxval=bound)
    return inp


def reference(x_num, x_cat, tables, W0, b0, W1, b1, W2, b2, W3, b3, W4, b4):
    # per-field embedding lookup: tables[i][x_cat[:, i]] -> [B, n_fields, emb]
    emb = jax.vmap(lambda t, idx: jnp.take(t, idx, axis=0), in_axes=(0, 1), out_axes=1)(tables, x_cat)
    emb_flat = emb.reshape(emb.shape[0], -1)  # [B, n_fields*emb]
    x = jnp.concatenate([x_num, emb_flat], axis=1)
    Ws = [W0, W1, W2, W3, W4]
    bs = [b0, b1, b2, b3, b4]
    for i in range(len(Ws)):
        x = x @ Ws[i] + bs[i]
        if i < len(Ws) - 1:
            x = jax.nn.relu(x)
            # Dropout(0.1) is identity in eval mode
    return x

if __name__ == "__main__":
    import jax
    _d = setup_inputs()
    print(jax.jit(kernel)(*tuple(_d.values())))

</pallas_src>

<mosaic_0001>
#map = affine_map<(d0, d1) -> (0, 0)>
module attributes {stable_mosaic.version = 14 : i64} {
  func.func @_sc_gather(%arg0: i32, %arg1: i32, %arg2: memref<26x16384xi32, #tpu.memory_space<hbm>>, %arg3: memref<1664x100000xf32, #tpu.memory_space<hbm>>, %arg4: memref<1664x16384xf32, #tpu.memory_space<hbm>>, %arg5: memref<100000xf32, #tpu.memory_space<vmem>>, %arg6: memref<16384xi32, #tpu.memory_space<vmem>>, %arg7: memref<8192xf32, #tpu.memory_space<vmem>>) attributes {dimension_semantics = [#tpu.dimension_semantics<core_parallel>, #tpu.dimension_semantics<subcore_parallel>], iteration_bounds = array<i64: 2, 16>, scalar_prefetch = 0 : i64, scratch_operands = 3 : i64, tpu.core_type = #tpu.core_type<sc_vector_subcore>, window_params = [{transform_indices = #map}, {transform_indices = #map}, {transform_indices = #map}]} {
    %mul3A = arith.constant 2 : i32
    %mul3A_0 = arith.muli %arg1, %mul3A : i32
    %add3A = arith.addi %mul3A_0, %arg0 : i32
    %mul3A_1 = arith.constant 52 : i32
    %mul3A_2 = arith.muli %add3A, %mul3A_1 : i32
    %scan3A = arith.constant -1 : i32
    %scan3A_3 = arith.constant 0 : i32
    %scan3A_4 = arith.constant 52 : i32
    %scan3A_5 = arith.addi %scan3A_3, %scan3A_4 : i32
    %scan3A_6 = arith.constant 1 : i32
    %scan3A_7 = scf.for %scan3A_9 = %scan3A_3 to %scan3A_5 step %scan3A_6 iter_args(%scan3A_10 = %scan3A) -> (i32)  : i32 {
      %add3A_11 = arith.addi %mul3A_2, %scan3A_9 : i32
      %jit3A = arith.constant 64 : i32
      %div3A = arith.divsi %add3A_11, %jit3A : i32
      %sign3A = arith.constant 0 : i32
      %sign3A_12 = arith.cmpi sgt, %add3A_11, %sign3A : i32
      %sign3A_13 = arith.extui %sign3A_12 : i1 to i32
      %sign3A_14 = arith.constant 0 : i32
      %sign3A_15 = arith.cmpi slt, %add3A_11, %sign3A_14 : i32
      %sign3A_16 = arith.extui %sign3A_15 : i1 to i32
      %sign3A_17 = arith.subi %sign3A_13, %sign3A_16 : i32
      %sign3A_18 = arith.constant 0 : i32
      %sign3A_19 = arith.cmpi sgt, %jit3A, %sign3A_18 : i32
      %sign3A_20 = arith.extui %sign3A_19 : i1 to i32
      %sign3A_21 = arith.constant 0 : i32
      %sign3A_22 = arith.cmpi slt, %jit3A, %sign3A_21 : i32
      %sign3A_23 = arith.extui %sign3A_22 : i1 to i32
      %sign3A_24 = arith.subi %sign3A_20, %sign3A_23 : i32
      %ne3A = arith.cmpi ne, %sign3A_17, %sign3A_24 : i32
      %rem3A = arith.remsi %add3A_11, %jit3A : i32
      %ne3A_25 = arith.constant 0 : i32
      %ne3A_26 = arith.cmpi ne, %rem3A, %ne3A_25 : i32
      %and3A = arith.andi %ne3A, %ne3A_26 : i1
      %sub3A = arith.constant 1 : i32
      %sub3A_27 = arith.subi %div3A, %sub3A : i32
      %select_n3A = arith.select %and3A, %sub3A_27, %div3A : i32
      %ne3A_28 = arith.cmpi ne, %select_n3A, %scan3A_10 : i32
      %convert_element_type3A = arith.extui %ne3A_28 : i1 to i32
      %cond3A = arith.constant 0 : i32
      %cond3A_29 = arith.cmpi ne, %convert_element_type3A, %cond3A : i32
      scf.if %cond3A_29 {
        "tpu.region"() ({
          %run_scoped3A = tpu.sem_alloc : memref<!tpu.dma_semaphore, #tpu.memory_space<semaphore_mem>>
          %dma_start3A = arith.constant 0 : i32
          %dma_start3A_36 = tpu.memref_slice %arg2[%select_n3A, %dma_start3A] : memref<26x16384xi32, #tpu.memory_space<hbm>> -> memref<1x16384xi32, #tpu.memory_space<hbm>>
          %dma_start3A_37 = tpu.memref_squeeze %dma_start3A_36 : memref<1x16384xi32, #tpu.memory_space<hbm>> -> memref<16384xi32, #tpu.memory_space<hbm>>
          %dma_start3A_38 = arith.constant 0 : i32
          %dma_start3A_39 = tpu.memref_slice %arg2[%select_n3A, %dma_start3A_38] : memref<26x16384xi32, #tpu.memory_space<hbm>> -> memref<1x16384xi32, #tpu.memory_space<hbm>>
          %dma_start3A_40 = tpu.memref_squeeze %dma_start3A_39 : memref<1x16384xi32, #tpu.memory_space<hbm>> -> memref<16384xi32, #tpu.memory_space<hbm>>
          tpu.enqueue_dma source(%dma_start3A_40 : memref<16384xi32, #tpu.memory_space<hbm>>) target(%arg6 : memref<16384xi32, #tpu.memory_space<vmem>>) target_semaphore(%run_scoped3A : memref<!tpu.dma_semaphore, #tpu.memory_space<semaphore_mem>>)
          %dma_wait3A = arith.constant 0 : i32
          %dma_wait3A_41 = tpu.memref_slice %arg2[%select_n3A, %dma_wait3A] : memref<26x16384xi32, #tpu.memory_space<hbm>> -> memref<1x16384xi32, #tpu.memory_space<hbm>>
          %dma_wait3A_42 = tpu.memref_squeeze %dma_wait3A_41 : memref<1x16384xi32, #tpu.memory_space<hbm>> -> memref<16384xi32, #tpu.memory_space<hbm>>
          %dma_wait3A_43 = arith.constant 0 : i32
          %dma_wait3A_44 = tpu.memref_slice %arg2[%select_n3A, %dma_wait3A_43] : memref<26x16384xi32, #tpu.memory_space<hbm>> -> memref<1x16384xi32, #tpu.memory_space<hbm>>
          %dma_wait3A_45 = tpu.memref_squeeze %dma_wait3A_44 : memref<1x16384xi32, #tpu.memory_space<hbm>> -> memref<16384xi32, #tpu.memory_space<hbm>>
          tpu.wait_dma2 semaphore(%run_scoped3A : memref<!tpu.dma_semaphore, #tpu.memory_space<semaphore_mem>>) src(%dma_wait3A_45 : memref<16384xi32, #tpu.memory_space<hbm>>) dst(%arg6 : memref<16384xi32, #tpu.memory_space<vmem>>)
          tpu.yield
        }) : () -> ()
      } else {
      }
      "tpu.region"() ({
        %run_scoped3A = tpu.sem_alloc : memref<!tpu.dma_semaphore, #tpu.memory_space<semaphore_mem>>
        %dma_start3A = arith.constant 0 : i32
        %dma_start3A_36 = tpu.memref_slice %arg3[%add3A_11, %dma_start3A] : memref<1664x100000xf32, #tpu.memory_space<hbm>> -> memref<1x100000xf32, #tpu.memory_space<hbm>>
        %dma_start3A_37 = tpu.memref_squeeze %dma_start3A_36 : memref<1x100000xf32, #tpu.memory_space<hbm>> -> memref<100000xf32, #tpu.memory_space<hbm>>
        %dma_start3A_38 = arith.constant 0 : i32
        %dma_start3A_39 = tpu.memref_slice %arg3[%add3A_11, %dma_start3A_38] : memref<1664x100000xf32, #tpu.memory_space<hbm>> -> memref<1x100000xf32, #tpu.memory_space<hbm>>
        %dma_start3A_40 = tpu.memref_squeeze %dma_start3A_39 : memref<1x100000xf32, #tpu.memory_space<hbm>> -> memref<100000xf32, #tpu.memory_space<hbm>>
        tpu.enqueue_dma source(%dma_start3A_40 : memref<100000xf32, #tpu.memory_space<hbm>>) target(%arg5 : memref<100000xf32, #tpu.memory_space<vmem>>) target_semaphore(%run_scoped3A : memref<!tpu.dma_semaphore, #tpu.memory_space<semaphore_mem>>)
        %dma_wait3A = arith.constant 0 : i32
        %dma_wait3A_41 = tpu.memref_slice %arg3[%add3A_11, %dma_wait3A] : memref<1664x100000xf32, #tpu.memory_space<hbm>> -> memref<1x100000xf32, #tpu.memory_space<hbm>>
        %dma_wait3A_42 = tpu.memref_squeeze %dma_wait3A_41 : memref<1x100000xf32, #tpu.memory_space<hbm>> -> memref<100000xf32, #tpu.memory_space<hbm>>
        %dma_wait3A_43 = arith.constant 0 : i32
        %dma_wait3A_44 = tpu.memref_slice %arg3[%add3A_11, %dma_wait3A_43] : memref<1664x100000xf32, #tpu.memory_space<hbm>> -> memref<1x100000xf32, #tpu.memory_space<hbm>>
        %dma_wait3A_45 = tpu.memref_squeeze %dma_wait3A_44 : memref<1x100000xf32, #tpu.memory_space<hbm>> -> memref<100000xf32, #tpu.memory_space<hbm>>
        tpu.wait_dma2 semaphore(%run_scoped3A : memref<!tpu.dma_semaphore, #tpu.memory_space<semaphore_mem>>) src(%dma_wait3A_45 : memref<100000xf32, #tpu.memory_space<hbm>>) dst(%arg5 : memref<100000xf32, #tpu.memory_space<vmem>>)
        tpu.yield
      }) : () -> ()
      %scan3A_30 = arith.constant 0 : i32
      %scan3A_31 = arith.constant 0 : i32
      %scan3A_32 = arith.constant 2 : i32
      %scan3A_33 = arith.addi %scan3A_31, %scan3A_32 : i32
      %scan3A_34 = arith.constant 1 : i32
      scf.for %scan3A_36 = %scan3A_31 to %scan3A_33 step %scan3A_34  : i32 {
        %mul3A_37 = arith.constant 8192 : i32
        %mul3A_38 = arith.muli %scan3A_36, %mul3A_37 : i32
        %multiple_of3A = tpu.assume_multiple %mul3A_38, 8192 : i32
        %scan3A_39 = arith.constant 0 : i32
        %scan3A_40 = arith.constant 0 : i32
        %scan3A_41 = arith.constant 64 : i32
        %scan3A_42 = arith.addi %scan3A_40, %scan3A_41 : i32
        %scan3A_43 = arith.constant 1 : i32
        scf.for %scan3A_45 = %scan3A_40 to %scan3A_42 step %scan3A_43  : i32 {
          %mul3A_46 = arith.constant 128 : i32
          %mul3A_47 = arith.muli %scan3A_45, %mul3A_46 : i32
          %multiple_of3A_48 = tpu.assume_multiple %mul3A_47, 128 : i32
          %add3A_49 = arith.constant 0 : i32
          %add3A_50 = arith.addi %multiple_of3A_48, %add3A_49 : i32
          %add3A_51 = arith.addi %multiple_of3A, %add3A_50 : i32
          %get3A = arith.index_cast %add3A_51 : i32 to index
          %get3A_52 = tpu.vector_load %arg6[%get3A] {strides = array<i32>} : memref<16384xi32, #tpu.memory_space<vmem>>, vector<16xi32>,
          %gather3A = tpu.vector_load_idx %arg5[%get3A_52] : memref<100000xf32, #tpu.memory_space<vmem>>[vector<16xi32>], vector<16xf32>,
          %swap3A = arith.index_cast %add3A_50 : i32 to index
          %swap3A_53 = tpu.vector_load %arg7[%swap3A] {strides = array<i32>} : memref<8192xf32, #tpu.memory_space<vmem>>, vector<16xf32>,
          tpu.vector_store %arg7[%swap3A], %gather3A {strides = array<i32>} : memref<8192xf32, #tpu.memory_space<vmem>>, vector<16xf32>,
          %add3A_54 = arith.constant 16 : i32
          %add3A_55 = arith.addi %multiple_of3A_48, %add3A_54 : i32
          %add3A_56 = arith.addi %multiple_of3A, %add3A_55 : i32
          %get3A_57 = arith.index_cast %add3A_56 : i32 to index
          %get3A_58 = tpu.vector_load %arg6[%get3A_57] {strides = array<i32>} : memref<16384xi32, #tpu.memory_space<vmem>>, vector<16xi32>,
          %gather3A_59 = tpu.vector_load_idx %arg5[%get3A_58] : memref<100000xf32, #tpu.memory_space<vmem>>[vector<16xi32>], vector<16xf32>,
          %swap3A_60 = arith.index_cast %add3A_55 : i32 to index
          %swap3A_61 = tpu.vector_load %arg7[%swap3A_60] {strides = array<i32>} : memref<8192xf32, #tpu.memory_space<vmem>>, vector<16xf32>,
          tpu.vector_store %arg7[%swap3A_60], %gather3A_59 {strides = array<i32>} : memref<8192xf32, #tpu.memory_space<vmem>>, vector<16xf32>,
          %add3A_62 = arith.constant 32 : i32
          %add3A_63 = arith.addi %multiple_of3A_48, %add3A_62 : i32
          %add3A_64 = arith.addi %multiple_of3A, %add3A_63 : i32
          %get3A_65 = arith.index_cast %add3A_64 : i32 to index
          %get3A_66 = tpu.vector_load %arg6[%get3A_65] {strides = array<i32>} : memref<16384xi32, #tpu.memory_space<vmem>>, vector<16xi32>,
          %gather3A_67 = tpu.vector_load_idx %arg5[%get3A_66] : memref<100000xf32, #tpu.memory_space<vmem>>[vector<16xi32>], vector<16xf32>,
          %swap3A_68 = arith.index_cast %add3A_63 : i32 to index
          %swap3A_69 = tpu.vector_load %arg7[%swap3A_68] {strides = array<i32>} : memref<8192xf32, #tpu.memory_space<vmem>>, vector<16xf32>,
          tpu.vector_store %arg7[%swap3A_68], %gather3A_67 {strides = array<i32>} : memref<8192xf32, #tpu.memory_space<vmem>>, vector<16xf32>,
          %add3A_70 = arith.constant 48 : i32
          %add3A_71 = arith.addi %multiple_of3A_48, %add3A_70 : i32
          %add3A_72 = arith.addi %multiple_of3A, %add3A_71 : i32
          %get3A_73 = arith.index_cast %add3A_72 : i32 to index
          %get3A_74 = tpu.vector_load %arg6[%get3A_73] {strides = array<i32>} : memref<16384xi32, #tpu.memory_space<vmem>>, vector<16xi32>,
          %gather3A_75 = tpu.vector_load_idx %arg5[%get3A_74] : memref<100000xf32, #tpu.memory_space<vmem>>[vector<16xi32>], vector<16xf32>,
          %swap3A_76 = arith.index_cast %add3A_71 : i32 to index
          %swap3A_77 = tpu.vector_load %arg7[%swap3A_76] {strides = array<i32>} : memref<8192xf32, #tpu.memory_space<vmem>>, vector<16xf32>,
          tpu.vector_store %arg7[%swap3A_76], %gather3A_75 {strides = array<i32>} : memref<8192xf32, #tpu.memory_space<vmem>>, vector<16xf32>,
          %add3A_78 = arith.constant 64 : i32
          %add3A_79 = arith.addi %multiple_of3A_48, %add3A_78 : i32
          %add3A_80 = arith.addi %multiple_of3A, %add3A_79 : i32
          %get3A_81 = arith.index_cast %add3A_80 : i32 to index
          %get3A_82 = tpu.vector_load %arg6[%get3A_81] {strides = array<i32>} : memref<16384xi32, #tpu.memory_space<vmem>>, vector<16xi32>,
          %gather3A_83 = tpu.vector_load_idx %arg5[%get3A_82] : memref<100000xf32, #tpu.memory_space<vmem>>[vector<16xi32>], vector<16xf32>,
          %swap3A_84 = arith.index_cast %add3A_79 : i32 to index
          %swap3A_85 = tpu.vector_load %arg7[%swap3A_84] {strides = array<i32>} : memref<8192xf32, #tpu.memory_space<vmem>>, vector<16xf32>,
          tpu.vector_store %arg7[%swap3A_84], %gather3A_83 {strides = array<i32>} : memref<8192xf32, #tpu.memory_space<vmem>>, vector<16xf32>,
          %add3A_86 = arith.constant 80 : i32
          %add3A_87 = arith.addi %multiple_of3A_48, %add3A_86 : i32
          %add3A_88 = arith.addi %multiple_of3A, %add3A_87 : i32
          %get3A_89 = arith.index_cast %add3A_88 : i32 to index
          %get3A_90 = tpu.vector_load %arg6[%get3A_89] {strides = array<i32>} : memref<16384xi32, #tpu.memory_space<vmem>>, vector<16xi32>,
          %gather3A_91 = tpu.vector_load_idx %arg5[%get3A_90] : memref<100000xf32, #tpu.memory_space<vmem>>[vector<16xi32>], vector<16xf32>,
          %swap3A_92 = arith.index_cast %add3A_87 : i32 to index
          %swap3A_93 = tpu.vector_load %arg7[%swap3A_92] {strides = array<i32>} : memref<8192xf32, #tpu.memory_space<vmem>>, vector<16xf32>,
          tpu.vector_store %arg7[%swap3A_92], %gather3A_91 {strides = array<i32>} : memref<8192xf32, #tpu.memory_space<vmem>>, vector<16xf32>,
          %add3A_94 = arith.constant 96 : i32
          %add3A_95 = arith.addi %multiple_of3A_48, %add3A_94 : i32
          %add3A_96 = arith.addi %multiple_of3A, %add3A_95 : i32
          %get3A_97 = arith.index_cast %add3A_96 : i32 to index
          %get3A_98 = tpu.vector_load %arg6[%get3A_97] {strides = array<i32>} : memref<16384xi32, #tpu.memory_space<vmem>>, vector<16xi32>,
          %gather3A_99 = tpu.vector_load_idx %arg5[%get3A_98] : memref<100000xf32, #tpu.memory_space<vmem>>[vector<16xi32>], vector<16xf32>,
          %swap3A_100 = arith.index_cast %add3A_95 : i32 to index
          %swap3A_101 = tpu.vector_load %arg7[%swap3A_100] {strides = array<i32>} : memref<8192xf32, #tpu.memory_space<vmem>>, vector<16xf32>,
          tpu.vector_store %arg7[%swap3A_100], %gather3A_99 {strides = array<i32>} : memref<8192xf32, #tpu.memory_space<vmem>>, vector<16xf32>,
          %add3A_102 = arith.constant 112 : i32
          %add3A_103 = arith.addi %multiple_of3A_48, %add3A_102 : i32
          %add3A_104 = arith.addi %multiple_of3A, %add3A_103 : i32
          %get3A_105 = arith.index_cast %add3A_104 : i32 to index
          %get3A_106 = tpu.vector_load %arg6[%get3A_105] {strides = array<i32>} : memref<16384xi32, #tpu.memory_space<vmem>>, vector<16xi32>,
          %gather3A_107 = tpu.vector_load_idx %arg5[%get3A_106] : memref<100000xf32, #tpu.memory_space<vmem>>[vector<16xi32>], vector<16xf32>,
          %swap3A_108 = arith.index_cast %add3A_103 : i32 to index
          %swap3A_109 = tpu.vector_load %arg7[%swap3A_108] {strides = array<i32>} : memref<8192xf32, #tpu.memory_space<vmem>>, vector<16xf32>,
          tpu.vector_store %arg7[%swap3A_108], %gather3A_107 {strides = array<i32>} : memref<8192xf32, #tpu.memory_space<vmem>>, vector<16xf32>,
        }
        %scan3A_44 = arith.constant 64 : i32
        "tpu.region"() ({
          %run_scoped3A = tpu.sem_alloc : memref<!tpu.dma_semaphore, #tpu.memory_space<semaphore_mem>>
          %dma_start3A = tpu.memref_slice %arg4[%add3A_11, %multiple_of3A] : memref<1664x16384xf32, #tpu.memory_space<hbm>> -> memref<1x8192xf32, #tpu.memory_space<hbm>>
          %dma_start3A_45 = tpu.memref_squeeze %dma_start3A : memref<1x8192xf32, #tpu.memory_space<hbm>> -> memref<8192xf32, #tpu.memory_space<hbm>>
          %dma_start3A_46 = tpu.memref_slice %arg4[%add3A_11, %multiple_of3A] : memref<1664x16384xf32, #tpu.memory_space<hbm>> -> memref<1x8192xf32, #tpu.memory_space<hbm>>
          %dma_start3A_47 = tpu.memref_squeeze %dma_start3A_46 : memref<1x8192xf32, #tpu.memory_space<hbm>> -> memref<8192xf32, #tpu.memory_space<hbm>>
          tpu.enqueue_dma source(%arg7 : memref<8192xf32, #tpu.memory_space<vmem>>) target(%dma_start3A_47 : memref<8192xf32, #tpu.memory_space<hbm>>) target_semaphore(%run_scoped3A : memref<!tpu.dma_semaphore, #tpu.memory_space<semaphore_mem>>)
          %dma_wait3A = tpu.memref_slice %arg4[%add3A_11, %multiple_of3A] : memref<1664x16384xf32, #tpu.memory_space<hbm>> -> memref<1x8192xf32, #tpu.memory_space<hbm>>
          %dma_wait3A_48 = tpu.memref_squeeze %dma_wait3A : memref<1x8192xf32, #tpu.memory_space<hbm>> -> memref<8192xf32, #tpu.memory_space<hbm>>
          %dma_wait3A_49 = tpu.memref_slice %arg4[%add3A_11, %multiple_of3A] : memref<1664x16384xf32, #tpu.memory_space<hbm>> -> memref<1x8192xf32, #tpu.memory_space<hbm>>
          %dma_wait3A_50 = tpu.memref_squeeze %dma_wait3A_49 : memref<1x8192xf32, #tpu.memory_space<hbm>> -> memref<8192xf32, #tpu.memory_space<hbm>>
          tpu.wait_dma2 semaphore(%run_scoped3A : memref<!tpu.dma_semaphore, #tpu.memory_space<semaphore_mem>>) src(%arg7 : memref<8192xf32, #tpu.memory_space<vmem>>) dst(%dma_wait3A_50 : memref<8192xf32, #tpu.memory_space<hbm>>)
          tpu.yield
        }) : () -> ()
      }
      %scan3A_35 = arith.constant 2 : i32
      scf.yield %select_n3A : i32
    }
    %scan3A_8 = arith.constant 52 : i32
    return
  }
}

module attributes {stable_mosaic.version = 14 : i64} {
  func.func @_mlp_body(%arg0: i32, %arg1: memref<1024x128xf32, #tpu.memory_space<vmem>>, %arg2: memref<1664x1024xf32, #tpu.memory_space<vmem>>, %arg3: memref<128x1024xf32, #tpu.memory_space<vmem>>, %arg4: memref<1664x1024xf32, #tpu.memory_space<vmem>>, %arg5: memref<1x1024xf32, #tpu.memory_space<vmem>>, %arg6: memref<1024x1024xf32, #tpu.memory_space<vmem>>, %arg7: memref<1x1024xf32, #tpu.memory_space<vmem>>, %arg8: memref<1024x512xf32, #tpu.memory_space<vmem>>, %arg9: memref<1x512xf32, #tpu.memory_space<vmem>>, %arg10: memref<512x256xf32, #tpu.memory_space<vmem>>, %arg11: memref<1x256xf32, #tpu.memory_space<vmem>>, %arg12: memref<256x128xf32, #tpu.memory_space<vmem>>, %arg13: memref<1x128xf32, #tpu.memory_space<vmem>>, %arg14: memref<1024x128xf32, #tpu.memory_space<vmem>>) attributes {dimension_semantics = [#tpu.dimension_semantics<arbitrary>], iteration_bounds = array<i64: 16>, scalar_prefetch = 0 : i64, scratch_operands = 0 : i64, tpu.core_type = #tpu.core_type<tc>, window_params = [{transform_indices = @transform_0, window_bounds = array<i64: 1024, 128>}, {transform_indices = @transform_1, window_bounds = array<i64: 1664, 1024>}, {pipeline_mode = #tpu.pipeline_mode<synchronous>, transform_indices = @transform_2, window_bounds = array<i64: 128, 1024>}, {pipeline_mode = #tpu.pipeline_mode<synchronous>, transform_indices = @transform_3, window_bounds = array<i64: 1664, 1024>}, {pipeline_mode = #tpu.pipeline_mode<synchronous>, transform_indices = @transform_4, window_bounds = array<i64: 1, 1024>}, {pipeline_mode = #tpu.pipeline_mode<synchronous>, transform_indices = @transform_5, window_bounds = array<i64: 1024, 1024>}, {pipeline_mode = #tpu.pipeline_mode<synchronous>, transform_indices = @transform_6, window_bounds = array<i64: 1, 1024>}, {pipeline_mode = #tpu.pipeline_mode<synchronous>, transform_indices = @transform_7, window_bounds = array<i64: 1024, 512>}, {pipeline_mode = #tpu.pipeline_mode<synchronous>, transform_indices = @transform_8, window_bounds = array<i64: 1, 512>}, {pipeline_mode = #tpu.pipeline_mode<synchronous>, transform_indices = @transform_9, window_bounds = array<i64: 512, 256>}, {pipeline_mode = #tpu.pipeline_mode<synchronous>, transform_indices = @transform_10, window_bounds = array<i64: 1, 256>}, {pipeline_mode = #tpu.pipeline_mode<synchronous>, transform_indices = @transform_11, window_bounds = array<i64: 256, 128>}, {pipeline_mode = #tpu.pipeline_mode<synchronous>, transform_indices = @transform_12, window_bounds = array<i64: 1, 128>}, {transform_indices = @transform_13, window_bounds = array<i64: 1024, 128>}]} {
    %get3A = arith.constant 0 : index
    %get3A_0 = arith.constant 0 : index
    %get3A_1 = vector.load %arg1[%get3A, %get3A_0] : memref<1024x128xf32, #tpu.memory_space<vmem>>, vector<1024x128xf32>
    %get3A_2 = arith.constant 0 : index
    %get3A_3 = arith.constant 0 : index
    %get3A_4 = vector.load %arg3[%get3A_2, %get3A_3] : memref<128x1024xf32, #tpu.memory_space<vmem>>, vector<128x1024xf32>
    %dot_general3A = arith.constant dense<0.000000e+00> : vector<1024x1024xf32>
    %dot_general3A_5 = tpu.matmul %get3A_1, %get3A_4, %dot_general3A {dimension_numbers = #tpu.dot_dimension_numbers<[1], [0], [0], [1], [0, 0, 1, 1], [], []>, transpose_lhs_hint = false} : vector<1024x128xf32>, vector<128x1024xf32>, vector<1024x1024xf32> -> vector<1024x1024xf32>
    %get3A_6 = arith.constant 0 : index
    %get3A_7 = arith.constant 0 : index
    %get3A_8 = vector.load %arg2[%get3A_6, %get3A_7] : memref<1664x1024xf32, #tpu.memory_space<vmem>>, vector<1664x1024xf32>
    %get3A_9 = arith.constant 0 : index
    %get3A_10 = arith.constant 0 : index
    %get3A_11 = vector.load %arg4[%get3A_9, %get3A_10] : memref<1664x1024xf32, #tpu.memory_space<vmem>>, vector<1664x1024xf32>
    %dot_general3A_12 = arith.constant dense<0.000000e+00> : vector<1024x1024xf32>
    %dot_general3A_13 = tpu.matmul %get3A_8, %get3A_11, %dot_general3A_12 {dimension_numbers = #tpu.dot_dimension_numbers<[0], [0], [1], [1], [0, 1, 1, 1], [], []>, transpose_lhs_hint = false} : vector<1664x1024xf32>, vector<1664x1024xf32>, vector<1024x1024xf32> -> vector<1024x1024xf32>
    %add3A = arith.addf %dot_general3A_5, %dot_general3A_13 : vector<1024x1024xf32>
    %get3A_14 = arith.constant 0 : index
    %get3A_15 = arith.constant 0 : index
    %get3A_16 = vector.load %arg5[%get3A_14, %get3A_15] : memref<1x1024xf32, #tpu.memory_space<vmem>>, vector<1x1024xf32>
    %add3A_17 = vector.broadcast %get3A_16 : vector<1x1024xf32> to vector<1024x1024xf32>
    %add3A_18 = arith.addf %add3A, %add3A_17 : vector<1024x1024xf32>
    %max3A = arith.constant 0.000000e+00 : f32
    %max3A_19 = vector.broadcast %max3A : f32 to vector<1024x1024xf32>
    %max3A_20 = arith.maximumf %add3A_18, %max3A_19 : vector<1024x1024xf32>
    %get3A_21 = arith.constant 0 : index
    %get3A_22 = arith.constant 0 : index
    %get3A_23 = vector.load %arg6[%get3A_21, %get3A_22] : memref<1024x1024xf32, #tpu.memory_space<vmem>>, vector<1024x1024xf32>
    %dot_general3A_24 = arith.constant dense<0.000000e+00> : vector<1024x1024xf32>
    %dot_general3A_25 = tpu.matmul %max3A_20, %get3A_23, %dot_general3A_24 {dimension_numbers = #tpu.dot_dimension_numbers<[1], [0], [0], [1], [0, 0, 1, 1], [], []>, transpose_lhs_hint = false} : vector<1024x1024xf32>, vector<1024x1024xf32>, vector<1024x1024xf32> -> vector<1024x1024xf32>
    %get3A_26 = arith.constant 0 : index
    %get3A_27 = arith.constant 0 : index
    %get3A_28 = vector.load %arg7[%get3A_26, %get3A_27] : memref<1x1024xf32, #tpu.memory_space<vmem>>, vector<1x1024xf32>
    %add3A_29 = vector.broadcast %get3A_28 : vector<1x1024xf32> to vector<1024x1024xf32>
    %add3A_30 = arith.addf %dot_general3A_25, %add3A_29 : vector<1024x1024xf32>
    %max3A_31 = arith.constant 0.000000e+00 : f32
    %max3A_32 = vector.broadcast %max3A_31 : f32 to vector<1024x1024xf32>
    %max3A_33 = arith.maximumf %add3A_30, %max3A_32 : vector<1024x1024xf32>
    %get3A_34 = arith.constant 0 : index
    %get3A_35 = arith.constant 0 : index
    %get3A_36 = vector.load %arg8[%get3A_34, %get3A_35] : memref<1024x512xf32, #tpu.memory_space<vmem>>, vector<1024x512xf32>
    %dot_general3A_37 = arith.constant dense<0.000000e+00> : vector<1024x512xf32>
    %dot_general3A_38 = tpu.matmul %max3A_33, %get3A_36, %dot_general3A_37 {dimension_numbers = #tpu.dot_dimension_numbers<[1], [0], [0], [1], [0, 0, 1, 1], [], []>, transpose_lhs_hint = false} : vector<1024x1024xf32>, vector<1024x512xf32>, vector<1024x512xf32> -> vector<1024x512xf32>
    %get3A_39 = arith.constant 0 : index
    %get3A_40 = arith.constant 0 : index
    %get3A_41 = vector.load %arg9[%get3A_39, %get3A_40] : memref<1x512xf32, #tpu.memory_space<vmem>>, vector<1x512xf32>
    %add3A_42 = vector.broadcast %get3A_41 : vector<1x512xf32> to vector<1024x512xf32>
    %add3A_43 = arith.addf %dot_general3A_38, %add3A_42 : vector<1024x512xf32>
    %max3A_44 = arith.constant 0.000000e+00 : f32
    %max3A_45 = vector.broadcast %max3A_44 : f32 to vector<1024x512xf32>
    %max3A_46 = arith.maximumf %add3A_43, %max3A_45 : vector<1024x512xf32>
    %get3A_47 = arith.constant 0 : index
    %get3A_48 = arith.constant 0 : index
    %get3A_49 = vector.load %arg10[%get3A_47, %get3A_48] : memref<512x256xf32, #tpu.memory_space<vmem>>, vector<512x256xf32>
    %dot_general3A_50 = arith.constant dense<0.000000e+00> : vector<1024x256xf32>
    %dot_general3A_51 = tpu.matmul %max3A_46, %get3A_49, %dot_general3A_50 {dimension_numbers = #tpu.dot_dimension_numbers<[1], [0], [0], [1], [0, 0, 1, 1], [], []>, transpose_lhs_hint = false} : vector<1024x512xf32>, vector<512x256xf32>, vector<1024x256xf32> -> vector<1024x256xf32>
    %get3A_52 = arith.constant 0 : index
    %get3A_53 = arith.constant 0 : index
    %get3A_54 = vector.load %arg11[%get3A_52, %get3A_53] : memref<1x256xf32, #tpu.memory_space<vmem>>, vector<1x256xf32>
    %add3A_55 = vector.broadcast %get3A_54 : vector<1x256xf32> to vector<1024x256xf32>
    %add3A_56 = arith.addf %dot_general3A_51, %add3A_55 : vector<1024x256xf32>
    %max3A_57 = arith.constant 0.000000e+00 : f32
    %max3A_58 = vector.broadcast %max3A_57 : f32 to vector<1024x256xf32>
    %max3A_59 = arith.maximumf %add3A_56, %max3A_58 : vector<1024x256xf32>
    %get3A_60 = arith.constant 0 : index
    %get3A_61 = arith.constant 0 : index
    %get3A_62 = vector.load %arg12[%get3A_60, %get3A_61] : memref<256x128xf32, #tpu.memory_space<vmem>>, vector<256x128xf32>
    %dot_general3A_63 = arith.constant dense<0.000000e+00> : vector<1024x128xf32>
    %dot_general3A_64 = tpu.matmul %max3A_59, %get3A_62, %dot_general3A_63 {dimension_numbers = #tpu.dot_dimension_numbers<[1], [0], [0], [1], [0, 0, 1, 1], [], []>, transpose_lhs_hint = false} : vector<1024x256xf32>, vector<256x128xf32>, vector<1024x128xf32> -> vector<1024x128xf32>
    %get3A_65 = arith.constant 0 : index
    %get3A_66 = arith.constant 0 : index
    %get3A_67 = vector.load %arg13[%get3A_65, %get3A_66] : memref<1x128xf32, #tpu.memory_space<vmem>>, vector<1x128xf32>
    %add3A_68 = vector.broadcast %get3A_67 : vector<1x128xf32> to vector<1024x128xf32>
    %add3A_69 = arith.addf %dot_general3A_64, %add3A_68 : vector<1024x128xf32>
    %swap3A = arith.constant 0 : index
    %swap3A_70 = arith.constant 0 : index
    %swap3A_71 = vector.load %arg14[%swap3A, %swap3A_70] : memref<1024x128xf32, #tpu.memory_space<vmem>>, vector<1024x128xf32>
    tpu.vector_store %arg14[%swap3A, %swap3A_70], %add3A_69 {strides = array<i32>} : memref<1024x128xf32, #tpu.memory_space<vmem>>, vector<1024x128xf32>,
    return
  }
  func.func @transform_0(%arg0: i32) -> (i32, i32) {
    %c0_i32 = arith.constant 0 : i32
    %c0_i32_0 = arith.constant 0 : i32
    return %arg0, %c0_i32 : i32, i32
  }
  func.func @transform_1(%arg0: i32) -> (i32, i32) {
    %c0_i32 = arith.constant 0 : i32
    %c0_i32_0 = arith.constant 0 : i32
    return %c0_i32, %arg0 : i32, i32
  }
  func.func @transform_2(%arg0: i32) -> (i32, i32) {
    %c0_i32 = arith.constant 0 : i32
    %c0_i32_0 = arith.constant 0 : i32
    %c0_i32_1 = arith.constant 0 : i32
    return %c0_i32, %c0_i32_0 : i32, i32
  }
  func.func @transform_3(%arg0: i32) -> (i32, i32) {
    %c0_i32 = arith.constant 0 : i32
    %c0_i32_0 = arith.constant 0 : i32
    %c0_i32_1 = arith.constant 0 : i32
    return %c0_i32, %c0_i32_0 : i32, i32
  }
  func.func @transform_4(%arg0: i32) -> (i32, i32) {
    %c0_i32 = arith.constant 0 : i32
    %c0_i32_0 = arith.constant 0 : i32
    %c0_i32_1 = arith.constant 0 : i32
    return %c0_i32, %c0_i32_0 : i32, i32
  }
  func.func @transform_5(%arg0: i32) -> (i32, i32) {
    %c0_i32 = arith.constant 0 : i32
    %c0_i32_0 = arith.constant 0 : i32
    %c0_i32_1 = arith.constant 0 : i32
    return %c0_i32, %c0_i32_0 : i32, i32
  }
  func.func @transform_6(%arg0: i32) -> (i32, i32) {
    %c0_i32 = arith.constant 0 : i32
    %c0_i32_0 = arith.constant 0 : i32
    %c0_i32_1 = arith.constant 0 : i32
    return %c0_i32, %c0_i32_0 : i32, i32
  }
  func.func @transform_7(%arg0: i32) -> (i32, i32) {
    %c0_i32 = arith.constant 0 : i32
    %c0_i32_0 = arith.constant 0 : i32
    %c0_i32_1 = arith.constant 0 : i32
    return %c0_i32, %c0_i32_0 : i32, i32
  }
  func.func @transform_8(%arg0: i32) -> (i32, i32) {
    %c0_i32 = arith.constant 0 : i32
    %c0_i32_0 = arith.constant 0 : i32
    %c0_i32_1 = arith.constant 0 : i32
    return %c0_i32, %c0_i32_0 : i32, i32
  }
  func.func @transform_9(%arg0: i32) -> (i32, i32) {
    %c0_i32 = arith.constant 0 : i32
    %c0_i32_0 = arith.constant 0 : i32
    %c0_i32_1 = arith.constant 0 : i32
    return %c0_i32, %c0_i32_0 : i32, i32
  }
  func.func @transform_10(%arg0: i32) -> (i32, i32) {
    %c0_i32 = arith.constant 0 : i32
    %c0_i32_0 = arith.constant 0 : i32
    %c0_i32_1 = arith.constant 0 : i32
    return %c0_i32, %c0_i32_0 : i32, i32
  }
  func.func @transform_11(%arg0: i32) -> (i32, i32) {
    %c0_i32 = arith.constant 0 : i32
    %c0_i32_0 = arith.constant 0 : i32
    %c0_i32_1 = arith.constant 0 : i32
    return %c0_i32, %c0_i32_0 : i32, i32
  }
  func.func @transform_12(%arg0: i32) -> (i32, i32) {
    %c0_i32 = arith.constant 0 : i32
    %c0_i32_0 = arith.constant 0 : i32
    %c0_i32_1 = arith.constant 0 : i32
    return %c0_i32, %c0_i32_0 : i32, i32
  }
  func.func @transform_13(%arg0: i32) -> (i32, i32) {
    %c0_i32 = arith.constant 0 : i32
    %c0_i32_0 = arith.constant 0 : i32
    return %arg0, %c0_i32 : i32, i32
  }
}

</mosaic_0001>

<sc_bundles>
// kernel: kernel.4.cloned.1.call-start
scs
__scs_entry_jumppad:
0x0: {  	(pc) =	sbr.rel $0x88, $3  }
0x1: {  	(tag) =	ssettag $0x0;
	lr =	simm.s32 $0x1  }
0x2: {  	[smem:$0x3F94] =	sst lr;
	_ =	strace $0xD0000000  }
0x3: {  	_ = 	snop  }
0x4: {  	_ = 	snop  }
0x5: {  	_ = 	snop  }
0x6: {  	_ = 	snop  }
0x7: {  	_ = 	snop  }
__scs_overlays_trampoline_lowered:
0x8: {  	[smem:$0x3FA3] =	sst s0  }
0x9: {  	[smem:$0x3FA4] =	sst s1  }
0xa: {  	[smem:$0x3FA5] =	sst s2  }
0xb: {  	[smem:$0x3FA6] =	sst s3  }
0xc: {  	[smem:$0x3FA7] =	sst s4  }
0xd: {  	[smem:$0x3FA8] =	sst s5  }
0xe: {  	[smem:$0x3FA9] =	sst s6  }
0xf: {  	[smem:$0x3FAA] =	sst s7  }
0x10: {  	[smem:$0x3FAB] =	sst s8  }
0x11: {  	[smem:$0x3FAC] =	sst s9;
	s0 =	simm.s32 @!p0 $0x0  }
0x12: {  	s1 =	sld [smem:$0x3F92];
	s0 =	simm.s32 @p0 $0x1  }
0x13: {  	[smem:$0x3FAD] =	sst s0;
	s0 =	simm.s32 @!p1 $0x0  }
0x14: {  	s2 =	sld [smem:$0x3F91];
	s0 =	simm.s32 @p1 $0x1  }
0x15: {  	[smem:$0x3FAE] =	sst s0;
	s0 =	simm.s32 @!p2 $0x0  }
0x16: {  	s3 =	sld [smem:$0x3FDB];
	s0 =	simm.s32 @p2 $0x1  }
0x17: {  	s4 =	simm.s32 $0x1BF5;
	[smem:$0x3FB0] =	sst s0  }
0x18: {  	s0 =	sld [smem:$0x3F93];
	_ =	swait.ge [sflag:s4], $0x0  }
0x19: {  	s7 =	sld [smem:$0x3F94]  }
0x1a: {  	s8 =	sadd.s32 $0xFFFFE003, lr  }
0x1b: {  	s9 =	sadd.s32 $0xFFFFFEF7, lr;
	s5 =	simm.s32 $0xFFFFFFFF;
	p2 =	slt.u32 s8, $0xFFFFF086  }
0x1c: {  	p1 =	slt.u32 s9, $0xF7A;
	s5 =	simm.s32 @!p2 $0x0  }
0x1d: {  	s5 =	simm.s32 @p1 $0x1;
	p0 =	seq.s32 s7, s2  }
0x1e: {  	s7 =	smul.u32 @!p0 $0xF7A, s2;
	p2 =	seq.s32 @!p0 s5, $0x0  }
0x1f: {  	s9 =	smul.u32 $0xF7A, s1;
	s8 =	simm.s32 @!p0 $0x1BF5;
	p2 =	por !p2, p0  }
0x20: {  	[sflag:s8] =	ssyncset.s32 @!p0 $0xFFFFF086;
	s6 =	sadd.s32 @!p0 s3, s7;
	s7 =	simm.s32 @!p0 $0x108  }
0x21: {  	s3 =	sadd.s32 s3, s9;
	s6 =	sadd.s32 @!p0 $0x88, s6;
	s7 =	simm.s32 @p2 $0x1082  }
0x22: {  	[simem:s7], [sflag:s8] =	dma.local @!p0 [hbm:s6], $0xF7A  }
0x23: {  	s9 =	sor.u32 $0xD0000000, s2;
	s6 =	simm.s32 $0x108;
	_ =	swait.ge @!p0 [sflag:s8], $0x0  }
0x24: {  	s3 =	sadd.s32 $0x88, s3;
	s6 =	simm.s32 @!p1 $0x1082;
	[sflag:s4] =	ssyncset.s32 $0xFFFFF086  }
0x25: {  	[simem:s6], [sflag:s4] =	dma.local [hbm:s3], $0xF7A  }
0x26: {  	[smem:$0x3F94] =	sst s1;
	(tag) =	ssettag s2;
	_ =	strace s9  }
0x27: {  	s1 =	sld [smem:$0x3FA4]  }
0x28: {  	s2 =	sld [smem:$0x3FA5]  }
0x29: {  	s4 =	sld [smem:$0x3FA7]  }
0x2a: {  	p0 =	seq.s32 s5, $0x0;
	s5 =	sld [smem:$0x3FA8]  }
0x2b: {  	s6 =	sld [smem:$0x3FA9]  }
0x2c: {  	s7 =	sld [smem:$0x3FAA]  }
0x2d: {  	s3 =	simm.s32 $0x108;
	s8 =	sld [smem:$0x3FAB]  }
0x2e: {  	s3 =	simm.s32 @!p0 $0x1082;
	s9 =	sld [smem:$0x3FAC]  }
0x2f: {  	lr =	sadd.s32 s0, s3;
	s0 =	sld [smem:$0x3FA3]  }
0x30: {  	s3 =	sld [smem:$0x3FA6]  }
0x31: {  	[smem:$0x3FAF] =	sst s10  }
0x32: {  	s10 =	sld [smem:$0x3FAD];
	_ =	sdelay $0x3  }
0x33: {  	p0 =	seq.s32 s10, $0x1;
	s10 =	sld [smem:$0x3FAF];
	_ =	sdelay $0x3  }
0x34: {  	[smem:$0x3FAF] =	sst s10  }
0x35: {  	s10 =	sld [smem:$0x3FAE];
	_ =	sdelay $0x3  }
0x36: {  	p1 =	seq.s32 s10, $0x1;
	s10 =	sld [smem:$0x3FAF];
	_ =	sdelay $0x3  }
0x37: {  	[smem:$0x3FAF] =	sst s10  }
0x38: {  	s10 =	sld [smem:$0x3FB0]  }
0x39: {  	_ = 	snop;
	(pc) =	sbr.ind lr, $3  }
0x3a: {  	_ = 	snop  }
0x3b: {  	_ = 	snop  }
0x3c: {  	p2 =	seq.s32 s10, $0x1;
	s10 =	sld [smem:$0x3FAF]  }
0x3d: {  	_ =	shalt  }
0x3e: {  	_ =	shalt  }
0x3f: {  	_ =	shalt  }
0x40: {  	_ =	shalt  }
0x41: {  	_ =	shalt  }
0x42: {  	_ =	shalt  }
0x43: {  	_ =	shalt  }
0x44: {  	_ =	shalt  }
0x45: {  	_ =	shalt  }
0x46: {  	_ =	shalt  }
0x47: {  	_ =	shalt  }
0x48: {  	_ =	shalt  }
0x49: {  	_ =	shalt  }
0x4a: {  	_ =	shalt  }
0x4b: {  	_ =	shalt  }
0x4c: {  	_ =	shalt  }
0x4d: {  	_ =	shalt  }
0x4e: {  	_ =	shalt  }
0x4f: {  	_ =	shalt  }
0x50: {  	_ =	shalt  }
0x51: {  	_ =	shalt  }
0x52: {  	_ =	shalt  }
0x53: {  	_ =	shalt  }
0x54: {  	_ =	shalt  }
0x55: {  	_ =	shalt  }
0x56: {  	_ =	shalt  }
0x57: {  	_ =	shalt  }
0x58: {  	_ =	shalt  }
0x59: {  	_ =	shalt  }
0x5a: {  	_ =	shalt  }
0x5b: {  	_ =	shalt  }
0x5c: {  	_ =	shalt  }
0x5d: {  	_ =	shalt  }
0x5e: {  	_ =	shalt  }
0x5f: {  	_ =	shalt  }
0x60: {  	_ =	shalt  }
0x61: {  	_ =	shalt  }
0x62: {  	_ =	shalt  }
0x63: {  	_ =	shalt  }
0x64: {  	_ =	shalt  }
0x65: {  	_ =	shalt  }
0x66: {  	_ =	shalt  }
0x67: {  	_ =	shalt  }
0x68: {  	_ =	shalt  }
0x69: {  	_ =	shalt  }
0x6a: {  	_ =	shalt  }
0x6b: {  	_ =	shalt  }
0x6c: {  	_ =	shalt  }
0x6d: {  	_ =	shalt  }
0x6e: {  	_ =	shalt  }
0x6f: {  	_ =	shalt  }
0x70: {  	_ =	shalt  }
0x71: {  	_ =	shalt  }
0x72: {  	_ =	shalt  }
0x73: {  	_ =	shalt  }
0x74: {  	_ =	shalt  }
0x75: {  	_ =	shalt  }
0x76: {  	_ =	shalt  }
0x77: {  	_ =	shalt  }
0x78: {  	_ =	shalt  }
0x79: {  	_ =	shalt  }
0x7a: {  	_ =	shalt  }
0x7b: {  	_ =	shalt  }
0x7c: {  	_ =	shalt  }
0x7d: {  	_ =	shalt  }
0x7e: {  	_ =	shalt  }
0x7f: {  	_ =	shalt  }
0x80: {  	_ =	shalt  }
0x81: {  	_ =	shalt  }
0x82: {  	_ =	shalt  }
0x83: {  	_ =	shalt  }
0x84: {  	_ =	shalt  }
0x85: {  	_ =	shalt  }
0x86: {  	_ =	shalt  }
0x87: {  	_ =	shalt  }
.Lfunc_end0:
.L_simem_size_0:
called_computation_lowered:
.L_overlay_start_0:
0x88: {  	s2 =	sld [smem:$0x3FD9]  }
0x89: {  	s3 =	sld [smem:$0x3FFE];
	_ =	sdelay $0x1  }
0x8a: {  	s1 =	srdreg.scid  }
0x8b: {  	s0 =	sand.u32 $0x1, s1  }
0x8c: {  	s17 =	sshll.u32 s0, $0xA;
	s2 =	sadd.s32 s3, s2  }
0x8d: {  	s2 =	sadd.s32 s2, s17  }
0x8e: {  	[smem:$0x3FBB] =	sst s2  }
0x8f: {  	_ = 	snop  }
0x90: {  	s2 =	sld [smem:$0x3FC8]  }
0x91: {  	s18 =	sld [smem:$0x3FC7];
	(tm) =	ssettm $0x1  }
0x92: {  	s4 =	sld [smem:$0x3FFB];
	_ =	sdelay $0x3  }
0x93: {  	_ =	strace s4  }
0x94: {  	s4 =	sld [smem:$0x3FFC];
	_ =	sdelay $0x3  }
0x95: {  	_ =	strace s4  }
0x96: {  	s4 =	sld [smem:$0x3FFD];
	_ =	sdelay $0x3  }
0x97: {  	_ =	strace s4  }
0x98: {  	_ =	strace $0x8FFFFFFF  }
0x99: {  	s19 =	sld [smem:$0x3FDB];
	_ =	sdelay $0x1  }
0x9a: {  	s5 =	simm.s32 $_scs_section_size  }
0x9b: {  	s6 =	simm.s32 $_size__tile_overlayer_lowered;
	s7 =	simm.s32 $_tile_overlayer_lowered  }
0x9c: {  	s22 =	simm.s32 $0x1BFF;
	s21 =	sshll.u32 s7, $0x1;
	s4 =	sadd.s32 s5, s19  }
0x9d: {  	s8 =	simm.s32 $0x0;
	s20 =	sshll.u32 s6, $0x1;
	s6 =	sadd.s32 s21, s4  }
0x9e: {  	[timem:s8], [sflag:s22] =	dma.local [hbm:s6], s20  }
0x9f: {  	_ =	swait.ge [sflag:s22], s20  }
0xa0: {  	s5 =	ssub.s32 $0x0, s20;
	[sflag:s22] =	ssyncset.done $0x0  }
0xa1: {  	[sflag:s22] =	ssyncadd.s32 s5;
	_ =	sdelay $0x1  }
0xa2: {  	s23 =	simm.s32 $0x1B8B  }
0xa3: {  	_ =	swait.ge [sflag:s23], $0x1  }
0xa4: {  	[sflag:s23] =	ssyncset.done $0x0  }
0xa5: {  	s25 =	simm.s32 $0x1B8E;
	s24 =	sld [smem:$0x3FFE];
	[sflag:s23] =	ssyncadd.s32 $0xFFFFFFFF  }
0xa6: {  	s26 =	simm.s32 $execute0_lowered;
	[smem:$0x3FD2] =	sst s25  }
0xa7: {  	s6 =	sshll.u32 s26, $0x1;
	_ =	strace $0x80000046;
	[dreg:$0x1] =	wrdreg $0xFFFFFFFF  }
0xa8: {  	s28 =	simm.s32 $_size_execute0_lowered;
	s4 =	sadd.s32 s4, s6;
	[dreg:$0x0] =	wrdreg $0x0  }
0xa9: {  	s6 =	sshll.u32 s28, $0x1;
	[dreg:$0x2] =	wrdreg s4  }
0xaa: {  	[dreg:$0x3] =	wrdreg s6  }
0xab: {  	[dreg:$0x4] =	wrdreg $0xC0  }
0xac: {  	_ =	task [dreg:s8], $0x5FFFF  }
0xad: {  	[dreg:$0x1] =	wrdreg $0xFFFFFFFF  }
0xae: {  	[dreg:$0x0] =	wrdreg $0x60  }
0xaf: {  	[dreg:$0x2] =	wrdreg s2  }
0xb0: {  	[dreg:$0x3] =	wrdreg s18  }
0xb1: {  	[dreg:$0x4] =	wrdreg s24  }
0xb2: {  	[dreg:$0x5] =	wrdreg $0x9  }
0xb3: {  	_ =	task.clear_ibuf [dreg:s8], $0x6FFFF;
	_ =	strace $0x90000046  }
0xb4: {  	s29 =	simm.s32 $0x9;
	_ =	strace $0x80000048  }
0xb5: {  	_ =	swait.ge [sflag:s29], $0x1  }
0xb6: {  	[sflag:s29] =	ssyncadd.s32 $0xFFFFFFFF  }
0xb7: {  	_ =	strace $0x90000048  }
0xb8: {  	_ =	sfence  }
0xb9: {  	s30 =	sld [smem:$0x0];
	_ =	sdelay $0x2  }
0xba: {  	s31 =	sshll.u32 s1, $0xD;
	s1 =	sshrl.u32 s1, $0x2  }
0xbb: {  	s3 =	sand.u32 $0x4000, s31;
	s1 =	sadd.s32 s1, s30  }
0xbc: {  	s0 =	sor.u32 s3, s0;
	s1 =	sshll.u32 s1, $0x11  }
0xbd: {  	s0 =	sor.u32 s1, s0  }
0xbe: {  	s0 =	sadd.s32 $0x8F2B, s0  }
0xbf: {  	[sflag:s0] =	ssyncadd.remote.s32 $0x1  }
0xc0: {  	_ =	sfence.sel $0xFFFF  }
0xc1: {  	[dreg:$0x0] =	wrdreg $0xFFFFFFFF;
	(pc) =	sbr.abs _section_cstart, $3  }
0xc2: {  	[dreg:$0x1] =	wrdreg $0xFFFFFFFF  }
0xc3: {  	_ =	task.clear_ibuf [dreg:s8], $0x2FFFF;
	_ =	strace $0x9FFFFFFF  }
0xc4: {  	(tm) =	ssettm $0x7FFFFFFF  }
0xc5: {  	_ =	shalt  }
tec
execute0_lowered:
.L_overlay_start_1:
0x0: {  	(tag) =	ssettag $0x1  }
0x1: {  	s1 =	rddreg [dreg:$0x0]  }
0x2: {  	s2 =	rddreg [dreg:$0x1]  }
0x3: {  	s5 =	rddreg [dreg:$0x2]  }
0x4: {  	s0 =	rddreg [dreg:$0x3];
	s6 =	srdreg.scid  }
0x5: {  	s4 =	simm.s32 $0x0;
	s3 =	stileid.u32;
	s10 =	simm.s32 $0x1  }
0x6: {  	s11 =	simm.s32 $0x1C700;
	s12 =	simm.s32 $0x0;
	s6 =	sand.u32 $0x1, s6  }
0x7: {  	[smem:$0x7FF] =	sst s4;
	s8 =	sshll.u32 s3, $0x1;
	s7 =	ssub.s32 $0x2, s6  }
0x8: {  	s5 =	sadd.s32 $0x1C00, s5;
	_ =	strace $0x80000047;
	s9 =	sshrl.u32 s7, $0x1  }
0x9: {  	s6 =	sor.u32 s6, s8;
	s8 =	simm.s32 $0x80;
	s7 =	ssub.s32 s7, s9  }
0xa: {  	s6 =	smul.u32 $0x34, s6;
	s9 =	simm.s32 $0x400;
	s7 =	smax.u32 s7, $0x1  }
.LBB2_1:
0xb: {  	s14 =	simm.s32 $0xFFFFFFFF;
	s13 =	simm.s32 $0x0  }
.LBB2_2:
0xc: {  	s16 =	sadd.s32 s6, s13  }
0xd: {  	s15 =	smov.u32 s14;
	s14 =	sshrl.u32 s16, $0x6  }
0xe: {  	p0 =	seq.s32 s14, s15  }
0xf: {  	s28 =	sshrl.u32 s16, $0x3;
	s16 =	sshll.u32 s16, $0x7;
	s15 =	sshll.u32 @!p0 s14, $0x4  }
0x10: {  	s29 =	smul.u32 $0xC3800, s28;
	s17 =	sshll.u32 @!p0 s14, $0xB;
	s15 =	sand.u32 @!p0 $0x70, s15  }
0x11: {  	s18 =	simm.s32 @!p0 $0x400;
	s17 =	sand.u32 @!p0 $0xFFFC000, s17;
	s15 =	sadd.s32 @!p0 s1, s15  }
0x12: {  	s19 =	simm.s32 @!p0 $0x18700;
	s15 =	sadd.s32 @!p0 s17, s15;
	s17 =	simm.s32 @!p0 $0x80  }
0x13: {  	[tilespmem:s19], [sflag:$0x1] =	stream.strided.gather @!p0 [hbm4b:s15+s17], $0x4000, s18, s17, $0x38;
	[tilespmem:$0x1E700] =	vst v63  }
0x14: {  	s30 =	sand.u32 $0x380, s16;
	s18 =	simm.s32 @!p0 $0x1  }
0x15: {  	s16 =	sor.u32 s30, s29;
	_ =	swait.ge @!p0 [sflag:s18], $0x4000  }
0x16: {  	s16 =	sshrl.u32 s16, $0x3;
	[sflag:s18] =	ssyncset.done @!p0 $0x0  }
0x17: {  	s31 =	simm.s32 $0x0;
	s16 =	sadd.s32 s2, s16;
	[sflag:s18] =	ssyncadd.s32 @!p0 $0xFFFFC000  }
0x18: {  	[tilespmem:s31], [sflag:$0x1] =	stream.strided.gather [hbm4b:s16+s8], $0x18700, s9, s8, $0x38;
	[tilespmem:$0x1E700] =	vst v63  }
0x19: {  	_ =	swait.ge [sflag:s10], $0x18700  }
0x1a: {  	[sflag:s10] =	ssyncset.done $0x0  }
0x1b: {  	s16 =	simm.s32 $0x0;
	[sflag:s10] =	ssyncadd.s32 $0xFFFE7900  }
0x1c: {  	v0 =	vld [tilespmem:s16+$0x18700];
	_ =	sdelay $0x5  }
0x1d: {  	v1 =	vld [tilespmem:s16+$0x18710];
	_ =	sdelay $0x1  }
0x1e: {  	v0 =	vld.idx.msk [tilespmem:v0+s4+$0x0], $0xffff;
	_ =	sdelay $0x4  }
0x1f: {  	[tilespmem:s16+$0x1C700] =	vst v0;
	v0 =	vld [tilespmem:s16+$0x18720]  }
0x20: {  	v1 =	vld.idx.msk [tilespmem:v1+s4+$0x0], $0xffff;
	_ =	sdelay $0x4  }
0x21: {  	[tilespmem:s16+$0x1C710] =	vst v1;
	v1 =	vld [tilespmem:s16+$0x18730];
	_ =	sdelay $0x1  }
0x22: {  	v0 =	vld.idx.msk [tilespmem:v0+s4+$0x0], $0xffff;
	_ =	sdelay $0x4  }
0x23: {  	[tilespmem:s16+$0x1C720] =	vst v0;
	v0 =	vld [tilespmem:s16+$0x18740]  }
0x24: {  	v1 =	vld.idx.msk [tilespmem:v1+s4+$0x0], $0xffff;
	_ =	sdelay $0x4  }
0x25: {  	[tilespmem:s16+$0x1C730] =	vst v1;
	v1 =	vld [tilespmem:s16+$0x18750];
	_ =	sdelay $0x1  }
0x26: {  	v0 =	vld.idx.msk [tilespmem:v0+s4+$0x0], $0xffff;
	_ =	sdelay $0x4  }
0x27: {  	v2 =	vld [tilespmem:s16+$0x18760];
	[tilespmem:s16+$0x1C740] =	vst v0  }
0x28: {  	v0 =	vld.idx.msk [tilespmem:v1+s4+$0x0], $0xffff;
	_ =	sdelay $0x4  }
0x29: {  	[tilespmem:s16+$0x1C750] =	vst v0;
	v0 =	vld [tilespmem:s16+$0x18770];
	_ =	sdelay $0x1  }
0x2a: {  	v1 =	vld.idx.msk [tilespmem:v2+s4+$0x0], $0xffff;
	_ =	sdelay $0x2  }
0x2b: {  	s15 =	sshll.u32 s28, $0x11  }
0x2c: {  	s17 =	simm.s32 $0x400;
	s15 =	sor.u32 s30, s15;
	s18 =	simm.s32 $0x80  }
.LBB2_3:
0x2d: {  	p0 =	sne.s32 s17, $0x7E00;
	v2 =	vld [tilespmem:s18+$0x18700];
	[tilespmem:s16+$0x1C760] =	vst v1  }
0x2e: {  	v0 =	vld.idx.msk [tilespmem:v0+s4+$0x0], $0xffff;
	_ =	sdelay $0x5  }
0x2f: {  	v1 =	vld [tilespmem:s18+$0x18710];
	[tilespmem:s16+$0x1C770] =	vst v0;
	s16 =	smov.u32 s18  }
0x30: {  	v0 =	vld.idx.msk [tilespmem:v2+s4+$0x0], $0xffff;
	_ =	sdelay $0x5  }
0x31: {  	[tilespmem:s16+$0x1C700] =	vst v0;
	v0 =	vld [tilespmem:s16+$0x18720]  }
0x32: {  	v1 =	vld.idx.msk [tilespmem:v1+s4+$0x0], $0xffff;
	_ =	sdelay $0x5  }
0x33: {  	[tilespmem:s16+$0x1C710] =	vst v1;
	v1 =	vld [tilespmem:s16+$0x18730]  }
0x34: {  	v0 =	vld.idx.msk [tilespmem:v0+s4+$0x0], $0xffff;
	_ =	sdelay $0x5  }
0x35: {  	[tilespmem:s16+$0x1C720] =	vst v0;
	v0 =	vld [tilespmem:s16+$0x18740]  }
0x36: {  	v1 =	vld.idx.msk [tilespmem:v1+s4+$0x0], $0xffff;
	_ =	sdelay $0x5  }
0x37: {  	[tilespmem:s16+$0x1C730] =	vst v1;
	v1 =	vld [tilespmem:s16+$0x18750]  }
0x38: {  	v0 =	vld.idx.msk [tilespmem:v0+s4+$0x0], $0xffff;
	_ =	sdelay $0x5  }
0x39: {  	[tilespmem:s16+$0x1C740] =	vst v0;
	v2 =	vld [tilespmem:s16+$0x18760]  }
0x3a: {  	v0 =	vld.idx.msk [tilespmem:v1+s4+$0x0], $0xffff;
	_ =	sdelay $0x5  }
0x3b: {  	[tilespmem:s16+$0x1C750] =	vst v0;
	v0 =	vld [tilespmem:s16+$0x18770]  }
0x3c: {  	v1 =	vld.idx.msk [tilespmem:v2+s4+$0x0], $0xffff  }
.Ltmp0:
0x3d: {  	(pc) =	sbr.rel @p0 .LBB2_3-.Ltmp0, $2  }
0x3e: {  	_ =	sdelay $0x2  }
0x3f: {  	s18 =	sshra.s32 s17, $0x2;
	s17 =	sadd.s32 $0x200, s17  }
0x40: {  	_ =	sdelay $0x1  }
0x41: {  	v2 =	vld [tilespmem:s18+$0x18700]  }
0x42: {  	[tilespmem:s16+$0x1C760] =	vst v1  }
0x43: {  	v0 =	vld.idx.msk [tilespmem:v0+s4+$0x0], $0xffff;
	_ =	sdelay $0x3  }
0x44: {  	v1 =	vld [tilespmem:s18+$0x18710]  }
0x45: {  	[tilespmem:s16+$0x1C770] =	vst v0  }
0x46: {  	v0 =	vld.idx.msk [tilespmem:v2+s4+$0x0], $0xffff;
	_ =	sdelay $0x4  }
0x47: {  	[tilespmem:s18+$0x1C700] =	vst v0;
	v0 =	vld [tilespmem:s18+$0x18720]  }
0x48: {  	v1 =	vld.idx.msk [tilespmem:v1+s4+$0x0], $0xffff;
	_ =	sdelay $0x4  }
0x49: {  	[tilespmem:s18+$0x1C710] =	vst v1;
	v1 =	vld [tilespmem:s18+$0x18730];
	_ =	sdelay $0x1  }
0x4a: {  	v0 =	vld.idx.msk [tilespmem:v0+s4+$0x0], $0xffff;
	_ =	sdelay $0x4  }
0x4b: {  	[tilespmem:s18+$0x1C720] =	vst v0;
	v0 =	vld [tilespmem:s18+$0x18740]  }
0x4c: {  	v1 =	vld.idx.msk [tilespmem:v1+s4+$0x0], $0xffff;
	_ =	sdelay $0x4  }
0x4d: {  	[tilespmem:s18+$0x1C730] =	vst v1;
	v1 =	vld [tilespmem:s18+$0x18750];
	_ =	sdelay $0x1  }
0x4e: {  	v0 =	vld.idx.msk [tilespmem:v0+s4+$0x0], $0xffff;
	_ =	sdelay $0x4  }
0x4f: {  	[tilespmem:s18+$0x1C740] =	vst v0;
	v0 =	vld [tilespmem:s18+$0x18760]  }
0x50: {  	v1 =	vld.idx.msk [tilespmem:v1+s4+$0x0], $0xffff;
	_ =	sdelay $0x4  }
0x51: {  	[tilespmem:s18+$0x1C750] =	vst v1;
	v1 =	vld [tilespmem:s18+$0x18770];
	_ =	sdelay $0x1  }
0x52: {  	v0 =	vld.idx.msk [tilespmem:v0+s4+$0x0], $0xffff;
	_ =	sdelay $0x4  }
0x53: {  	[tilespmem:s18+$0x1C760] =	vst v0  }
0x54: {  	v0 =	vld.idx.msk [tilespmem:v1+s4+$0x0], $0xffff;
	_ =	sdelay $0x3  }
0x55: {  	s15 =	sshrl.u32 s15, $0x3  }
0x56: {  	s31 =	sadd.s32 s5, s15;
	[tilespmem:s18+$0x1C770] =	vst v0  }
0x57: {  	[hbm4b:s31+s8] =	stream.strided.scatter [tilespmem:s11], [sflag:$0x1], $0x2000, s9, s8, $0x38;
	[tilespmem:$0x1E700] =	vst v63  }
0x58: {  	_ =	swait.ge [sflag:s10], $0x2000  }
0x59: {  	[sflag:s10] =	ssyncset.done $0x0  }
0x5a: {  	s16 =	simm.s32 $0x0;
	[sflag:s10] =	ssyncadd.s32 $0xFFFFE000  }
0x5b: {  	v0 =	vld [tilespmem:s16+$0x1A700];
	_ =	sdelay $0x5  }
0x5c: {  	v1 =	vld [tilespmem:s16+$0x1A710];
	_ =	sdelay $0x1  }
0x5d: {  	v0 =	vld.idx.msk [tilespmem:v0+s4+$0x0], $0xffff;
	_ =	sdelay $0x4  }
0x5e: {  	[tilespmem:s16+$0x1C700] =	vst v0;
	v0 =	vld [tilespmem:s16+$0x1A720]  }
0x5f: {  	v1 =	vld.idx.msk [tilespmem:v1+s4+$0x0], $0xffff;
	_ =	sdelay $0x4  }
0x60: {  	[tilespmem:s16+$0x1C710] =	vst v1;
	v1 =	vld [tilespmem:s16+$0x1A730];
	_ =	sdelay $0x1  }
0x61: {  	v0 =	vld.idx.msk [tilespmem:v0+s4+$0x0], $0xffff;
	_ =	sdelay $0x4  }
0x62: {  	[tilespmem:s16+$0x1C720] =	vst v0;
	v0 =	vld [tilespmem:s16+$0x1A740]  }
0x63: {  	v1 =	vld.idx.msk [tilespmem:v1+s4+$0x0], $0xffff;
	_ =	sdelay $0x4  }
0x64: {  	[tilespmem:s16+$0x1C730] =	vst v1;
	v1 =	vld [tilespmem:s16+$0x1A750];
	_ =	sdelay $0x1  }
0x65: {  	v0 =	vld.idx.msk [tilespmem:v0+s4+$0x0], $0xffff;
	_ =	sdelay $0x4  }
0x66: {  	v2 =	vld [tilespmem:s16+$0x1A760];
	[tilespmem:s16+$0x1C740] =	vst v0  }
0x67: {  	v0 =	vld.idx.msk [tilespmem:v1+s4+$0x0], $0xffff;
	_ =	sdelay $0x4  }
0x68: {  	[tilespmem:s16+$0x1C750] =	vst v0;
	v0 =	vld [tilespmem:s16+$0x1A770];
	_ =	sdelay $0x1  }
0x69: {  	v1 =	vld.idx.msk [tilespmem:v2+s4+$0x0], $0xffff;
	_ =	sdelay $0x3  }
0x6a: {  	s17 =	simm.s32 $0x400;
	s18 =	simm.s32 $0x80  }
.LBB2_5:
0x6b: {  	p0 =	sne.s32 s17, $0x7E00;
	v2 =	vld [tilespmem:s18+$0x1A700];
	[tilespmem:s16+$0x1C760] =	vst v1  }
0x6c: {  	v0 =	vld.idx.msk [tilespmem:v0+s4+$0x0], $0xffff;
	_ =	sdelay $0x5  }
0x6d: {  	v1 =	vld [tilespmem:s18+$0x1A710];
	[tilespmem:s16+$0x1C770] =	vst v0;
	s16 =	smov.u32 s18  }
0x6e: {  	v0 =	vld.idx.msk [tilespmem:v2+s4+$0x0], $0xffff;
	_ =	sdelay $0x5  }
0x6f: {  	[tilespmem:s16+$0x1C700] =	vst v0;
	v0 =	vld [tilespmem:s16+$0x1A720]  }
0x70: {  	v1 =	vld.idx.msk [tilespmem:v1+s4+$0x0], $0xffff;
	_ =	sdelay $0x5  }
0x71: {  	[tilespmem:s16+$0x1C710] =	vst v1;
	v1 =	vld [tilespmem:s16+$0x1A730]  }
0x72: {  	v0 =	vld.idx.msk [tilespmem:v0+s4+$0x0], $0xffff;
	_ =	sdelay $0x5  }
0x73: {  	[tilespmem:s16+$0x1C720] =	vst v0;
	v0 =	vld [tilespmem:s16+$0x1A740]  }
0x74: {  	v1 =	vld.idx.msk [tilespmem:v1+s4+$0x0], $0xffff;
	_ =	sdelay $0x5  }
0x75: {  	[tilespmem:s16+$0x1C730] =	vst v1;
	v1 =	vld [tilespmem:s16+$0x1A750]  }
0x76: {  	v0 =	vld.idx.msk [tilespmem:v0+s4+$0x0], $0xffff;
	_ =	sdelay $0x5  }
0x77: {  	[tilespmem:s16+$0x1C740] =	vst v0;
	v2 =	vld [tilespmem:s16+$0x1A760]  }
0x78: {  	v0 =	vld.idx.msk [tilespmem:v1+s4+$0x0], $0xffff;
	_ =	sdelay $0x5  }
0x79: {  	[tilespmem:s16+$0x1C750] =	vst v0;
	v0 =	vld [tilespmem:s16+$0x1A770]  }
0x7a: {  	v1 =	vld.idx.msk [tilespmem:v2+s4+$0x0], $0xffff  }
.Ltmp1:
0x7b: {  	(pc) =	sbr.rel @p0 .LBB2_5-.Ltmp1, $2  }
0x7c: {  	_ =	sdelay $0x2  }
0x7d: {  	s18 =	sshra.s32 s17, $0x2;
	s17 =	sadd.s32 $0x200, s17  }
0x7e: {  	_ =	sdelay $0x1  }
0x7f: {  	v2 =	vld [tilespmem:s18+$0x1A700]  }
0x80: {  	[tilespmem:s16+$0x1C760] =	vst v1  }
0x81: {  	v0 =	vld.idx.msk [tilespmem:v0+s4+$0x0], $0xffff;
	_ =	sdelay $0x3  }
0x82: {  	v1 =	vld [tilespmem:s18+$0x1A710]  }
0x83: {  	[tilespmem:s16+$0x1C770] =	vst v0  }
0x84: {  	v0 =	vld.idx.msk [tilespmem:v2+s4+$0x0], $0xffff;
	_ =	sdelay $0x3  }
0x85: {  	v58 =	vld [tilespmem:s18+$0x1A720]  }
0x86: {  	[tilespmem:s18+$0x1C700] =	vst v0  }
0x87: {  	v1 =	vld.idx.msk [tilespmem:v1+s4+$0x0], $0xffff;
	_ =	sdelay $0x3  }
0x88: {  	v59 =	vld [tilespmem:s18+$0x1A730]  }
0x89: {  	[tilespmem:s18+$0x1C710] =	vst v1  }
0x8a: {  	v0 =	vld.idx.msk [tilespmem:v58+s4+$0x0], $0xffff;
	_ =	sdelay $0x3  }
0x8b: {  	v60 =	vld [tilespmem:s18+$0x1A740]  }
0x8c: {  	[tilespmem:s18+$0x1C720] =	vst v0  }
0x8d: {  	v1 =	vld.idx.msk [tilespmem:v59+s4+$0x0], $0xffff;
	_ =	sdelay $0x3  }
0x8e: {  	v61 =	vld [tilespmem:s18+$0x1A750]  }
0x8f: {  	[tilespmem:s18+$0x1C730] =	vst v1  }
0x90: {  	v0 =	vld.idx.msk [tilespmem:v60+s4+$0x0], $0xffff;
	_ =	sdelay $0x3  }
0x91: {  	v62 =	vld [tilespmem:s18+$0x1A760]  }
0x92: {  	[tilespmem:s18+$0x1C740] =	vst v0  }
0x93: {  	v1 =	vld.idx.msk [tilespmem:v61+s4+$0x0], $0xffff;
	_ =	sdelay $0x3  }
0x94: {  	v63 =	vld [tilespmem:s18+$0x1A770]  }
0x95: {  	[tilespmem:s18+$0x1C750] =	vst v1  }
0x96: {  	v0 =	vld.idx.msk [tilespmem:v62+s4+$0x0], $0xffff;
	_ =	sdelay $0x4  }
0x97: {  	[tilespmem:s18+$0x1C760] =	vst v0  }
0x98: {  	v0 =	vld.idx.msk [tilespmem:v63+s4+$0x0], $0xffff;
	_ =	sdelay $0x2  }
0x99: {  	s13 =	sadd.s32 $0x1, s13  }
0x9a: {  	s15 =	sadd.s32 s15, s5;
	p0 =	sne.s32 s13, $0x34  }
.Ltmp2:
0x9b: {  	s15 =	sadd.s32 $0x2000, s15;
	[tilespmem:s18+$0x1C770] =	vst v0;
	(pc) =	sbr.rel @p0 .LBB2_2-.Ltmp2, $4  }
0x9c: {  	[hbm4b:s15+s8] =	stream.strided.scatter [tilespmem:s11], [sflag:$0x1], $0x2000, s9, s8, $0x38;
	[tilespmem:$0x1E700] =	vst v63  }
0x9d: {  	_ =	swait.ge [sflag:s10], $0x2000  }
0x9e: {  	[sflag:s10] =	ssyncset.done $0x0  }
0x9f: {  	[sflag:s10] =	ssyncadd.s32 $0xFFFFE000  }
0xa0: {  	s12 =	sadd.s32 $0x1, s12  }
0xa1: {  	p0 =	sne.s32 s12, s7  }
.Ltmp3:
0xa2: {  	_ = 	snop;
	(pc) =	sbr.rel @p0 .LBB2_1-.Ltmp3, $1  }
0xa3: {  	_ =	sdelay $0x3  }
0xa4: {  	_ =	sfence.sel $0x180000  }
0xa5: {  	[bflag:$0x0] =	sbarrier.arrive $0xFFFF  }
0xa6: {  	p0 =	sne.s32 s3, $0x0;
	_ =	strace $0x90000047  }
0xa7: {  	s0 =	sadd.s32 @!p0 $0x100000, s0;
	[bflag:$0x2] =	sbarrier.arrive $0xFFFF  }
0xa8: {  	[sflag:s0] =	ssyncadd.tile.s32 @!p0 $0x1;
	_ =	shalt  }
.Lfunc_end2:
_tile_overlayer_lowered:
.L_overlay_start_2:
0xa9: {  	(tag) =	ssettag $0x2  }
0xaa: {  	s0 =	rddreg [dreg:$0x0];
	s2 =	stileid.u32  }
0xab: {  	s1 =	rddreg [dreg:$0x1];
	p0 =	sne.s32 s2, $0x0  }
0xac: {  	s3 =	rddreg [dreg:$0x2];
	[bflag:$0x3] =	sbarrier.arrive $0xFFFF;
	s2 =	simm.s32 @!p0 $0x1C01  }
0xad: {  	[timem:s3], [sflag:s2] =	dma.local @!p0 [hbm:s0], s1  }
0xae: {  	s0 =	simm.s32 @!p0 $0x1  }
0xaf: {  	_ =	swait.ge @!p0 [sflag:s0], s1  }
0xb0: {  	s1 =	ssub.s32 @!p0 $0x0, s1;
	[sflag:s0] =	ssyncset.done @!p0 $0x0  }
0xb1: {  	[sflag:s0] =	ssyncadd.s32 @!p0 s1  }
0xb2: {  	[bflag:$0x3] =	sbarrier.arrive $0xFFFF  }
0xb3: {  	_ =	shalt  }

</sc_bundles>
